<compile_context>
chip_gen: v7x
topology: tpu7x:2x2x1
jax: 0.10.2.dev20260603
libtpu: 0.0.44.dev20260713+nightly
codegen_flags: <defaults>
</compile_context>

<pallas_src>
import functools

import jax
import jax.numpy as jnp
from jax import lax
from jax.experimental import pallas as pl
from jax.experimental.pallas import tpu as pltpu
from jax.experimental.pallas import tpu_sc as plsc

DIM = 128
B = 1024


@functools.lru_cache(maxsize=1)
def _make_gather3():
    info = plsc.get_sparse_core_info()
    _NS = info.num_subcores
    _NW = _NS
    _BPW = B // _NW
    mesh = plsc.VectorSubcoreMesh(core_axis_name="c", subcore_axis_name="s", num_cores=1)

    @functools.partial(
        pl.kernel,
        mesh=mesh,
        out_type=[
            jax.ShapeDtypeStruct((B, DIM), jnp.float32),
            jax.ShapeDtypeStruct((B, DIM), jnp.float32),
            jax.ShapeDtypeStruct((B, DIM), jnp.float32),
        ],
        scratch_types=[
            pltpu.VMEM((_BPW,), jnp.int32),
            pltpu.VMEM((_BPW,), jnp.int32),
            pltpu.VMEM((_BPW,), jnp.int32),
            pltpu.VMEM((_BPW, DIM), jnp.float32),
            pltpu.VMEM((_BPW, DIM), jnp.float32),
            pltpu.VMEM((_BPW, DIM), jnp.float32),
            pltpu.SemaphoreType.DMA,
            pltpu.SemaphoreType.DMA,
            pltpu.SemaphoreType.DMA,
        ],
    )
    def gather3(uids, iids, sids, utab, itab, stab,
                out_u, out_i, out_s,
                idx_u, idx_i, idx_s, rows_u, rows_i, rows_s,
                sem_u, sem_i, sem_s):
        wid = lax.axis_index("s")
        base = wid * _BPW
        chains = (
            (uids, utab, out_u, idx_u, rows_u, sem_u),
            (iids, itab, out_i, idx_i, rows_i, sem_i),
            (sids, stab, out_s, idx_s, rows_s, sem_s),
        )
        ic = [pltpu.async_copy(ids.at[pl.ds(base, _BPW)], idx, sem)
              for ids, _, _, idx, _, sem in chains]
        gc = []
        for c, (_, tab, _, idx, rows, sem) in zip(ic, chains):
            c.wait()
            gc.append(pltpu.async_copy(tab.at[idx], rows, sem))
        wc = []
        for c, (_, _, out, _, rows, sem) in zip(gc, chains):
            c.wait()
            wc.append(pltpu.async_copy(rows, out.at[pl.ds(base, _BPW)], sem))
        for c in wc:
            c.wait()

    return gather3


def _dense_body(user_emb_ref, item_emb_ref, head_emb_ref, user_w_ref,
                user_b_ref, bias_v_ref, vv_ref, ve_ref, ev_ref, ee_ref,
                labels_ref, scores_ref, norm_ref, loss_ref):
    ie_raw = item_emb_ref[...]
    he = head_emb_ref[...]
    ue = user_emb_ref[...]

    a = jnp.sum(he * vv_ref[...], axis=1, keepdims=True)
    b2 = jnp.sum(ie_raw * ev_ref[...], axis=1, keepdims=True)
    ie = ie_raw * a + he * b2 + bias_v_ref[...]

    uw = lax.dot_general(ue, user_w_ref[...], (((1,), (1,)), ((), ())),
                         preferred_element_type=jnp.float32)
    u = jnp.maximum(uw + user_b_ref[...], 0.0)

    scores = jnp.sum(u * ie, axis=1)
    scores_ref[...] = scores
    norm_ref[...] = jax.nn.sigmoid(scores)

    y = labels_ref[...].astype(jnp.float32)
    bce = jnp.mean(jnp.maximum(scores, 0.0) - scores * y
                   + jnp.log1p(jnp.exp(-jnp.abs(scores))))
    l2 = (jnp.sum(u * u) + jnp.sum(ie * ie)
          + jnp.sum(user_w_ref[...] ** 2)
          + jnp.sum(vv_ref[...] ** 2) + jnp.sum(ve_ref[...] ** 2)
          + jnp.sum(ev_ref[...] ** 2) + jnp.sum(ee_ref[...] ** 2)) * 0.5
    loss_ref[0, 0] = l2 * 1e-06 + bce


def kernel(user_ids, item_ids, s_ids, labels, item_table, so_table, user_table,
           vv_w, ve_w, ev_w, ee_w, bias_v, bias_e, user_w, user_b):
    user_emb, item_emb, head_emb = _make_gather3()(
        user_ids.astype(jnp.int32), item_ids.astype(jnp.int32),
        s_ids.astype(jnp.int32), user_table, item_table, so_table)

    scores, norm, loss2d = pl.pallas_call(
        _dense_body,
        out_shape=(
            jax.ShapeDtypeStruct((B,), jnp.float32),
            jax.ShapeDtypeStruct((B,), jnp.float32),
            jax.ShapeDtypeStruct((1, 1), jnp.float32),
        ),
        in_specs=[pl.BlockSpec(memory_space=pltpu.VMEM)] * 11,
        out_specs=(
            pl.BlockSpec(memory_space=pltpu.VMEM),
            pl.BlockSpec(memory_space=pltpu.VMEM),
            pl.BlockSpec(memory_space=pltpu.SMEM),
        ),
    )(user_emb, item_emb, head_emb, user_w,
      user_b.reshape(1, DIM), bias_v.reshape(1, DIM),
      vv_w, ve_w, ev_w, ee_w, labels.astype(jnp.int32))

    return scores, norm, loss2d[0, 0]

# --- scband reference (transcript-rebuilt; emitter-appended) ---
"""Pipeline reference for scband-mrk-7782480740660 (READ-ONLY COPY).

The authoritative reference and input builder live on the scoring server;
editing this copy changes nothing except your own understanding.
"""

import jax, jax.numpy as jnp
import numpy as np

DIM = 128
B = 1024
USER_NUM = 100000
ITEM_NUM = 100000
SO_NUM = 100000


def setup_inputs(seed: int = 0) -> dict:
    key = jax.random.key(seed)
    ks = jax.random.split(key, 16)
    # learned parameters (xavier-normal-ish init)
    user_table = jax.random.normal(ks[0], (USER_NUM, DIM), dtype=jnp.float32) * (2.0 / (USER_NUM + DIM)) ** 0.5
    item_table = jax.random.normal(ks[1], (ITEM_NUM, DIM), dtype=jnp.float32) * (2.0 / (ITEM_NUM + DIM)) ** 0.5
    so_table = jax.random.normal(ks[2], (SO_NUM, DIM), dtype=jnp.float32) * (2.0 / (SO_NUM + DIM)) ** 0.5
    vv_w = jax.random.normal(ks[3], (1, DIM), dtype=jnp.float32) * (2.0 / (1 + DIM)) ** 0.5
    ve_w = jax.random.normal(ks[4], (1, DIM), dtype=jnp.float32) * (2.0 / (1 + DIM)) ** 0.5
    ev_w = jax.random.normal(ks[5], (1, DIM), dtype=jnp.float32) * (2.0 / (1 + DIM)) ** 0.5
    ee_w = jax.random.normal(ks[6], (1, DIM), dtype=jnp.float32) * (2.0 / (1 + DIM)) ** 0.5
    bias_v = jnp.zeros((DIM,), dtype=jnp.float32)
    bias_e = jnp.zeros((DIM,), dtype=jnp.float32)
    user_w = jax.random.normal(ks[7], (DIM, DIM), dtype=jnp.float32) * (2.0 / (DIM + DIM)) ** 0.5
    user_b = jnp.zeros((DIM,), dtype=jnp.float32)
    # forward inputs
    user_ids = jax.random.randint(ks[8], (B,), 0, USER_NUM, dtype=jnp.int64 if jax.config.jax_enable_x64 else jnp.int32)
    item_ids = jax.random.randint(ks[9], (B,), 0, ITEM_NUM, dtype=jnp.int64 if jax.config.jax_enable_x64 else jnp.int32)
    s_ids = jax.random.randint(ks[10], (B,), 0, SO_NUM, dtype=jnp.int64 if jax.config.jax_enable_x64 else jnp.int32)
    labels = jax.random.randint(ks[11], (B,), 0, 2, dtype=jnp.int64 if jax.config.jax_enable_x64 else jnp.int32)
    return {
        "user_ids": user_ids, "item_ids": item_ids, "s_ids": s_ids, "labels": labels,
        "item_table": item_table, "so_table": so_table, "user_table": user_table,
        "vv_w": vv_w, "ve_w": ve_w, "ev_w": ev_w, "ee_w": ee_w,
        "bias_v": bias_v, "bias_e": bias_e, "user_w": user_w, "user_b": user_b,
    }


def reference(user_ids, item_ids, s_ids, labels, item_table, so_table, user_table,
              vv_w, ve_w, ev_w, ee_w, bias_v, bias_e, user_w, user_b):
    # MRK forward, flag=True path with labels (rs branch). Dropout in eval mode (identity).
    item_emb = jnp.take(item_table, item_ids, axis=0)      # [B, dim]
    head_emb = jnp.take(so_table, s_ids, axis=0)           # [B, dim]
    # CrossCompressUnit
    c = item_emb[:, :, None] * head_emb[:, None, :]        # bmm(v.unsqueeze(2), e.unsqueeze(1)) -> [B, dim, dim]
    c_t = jnp.swapaxes(c, 1, 2)
    cf = c.reshape(-1, DIM)
    ctf = c_t.reshape(-1, DIM)
    v_out = cf @ vv_w.T + ctf @ ev_w.T                     # [B*dim, 1]
    e_out = cf @ ve_w.T + ctf @ ee_w.T                     # [B*dim, 1]
    item_embeddings = v_out.reshape(-1, DIM) + bias_v      # [B, dim]
    head_embeddings = e_out.reshape(-1, DIM) + bias_e      # [B, dim] (unused in flag=True path)
    # user MLP (dropout eval -> identity, then linear + relu)
    u = jnp.take(user_table, user_ids, axis=0)
    u = jax.nn.relu(u @ user_w.T + user_b)
    scores = jnp.sum(u * item_embeddings, axis=1)          # [B]
    score_normalized = jax.nn.sigmoid(scores)
    # BCEWithLogitsLoss (mean reduction)
    x = scores.reshape(-1, 1)
    y = labels.astype(jnp.float32).reshape(-1, 1)
    rs_loss = jnp.mean(jnp.maximum(x, 0.0) - x * y + jnp.log1p(jnp.exp(-jnp.abs(x))))
    rs_l2 = jnp.sum(u ** 2) / 2 + jnp.sum(item_embeddings ** 2) / 2
    for w in [user_w, vv_w, ve_w, ev_w, ee_w]:
        rs_l2 = rs_l2 + jnp.sum(w ** 2) / 2
    return (scores, score_normalized, rs_l2 * 1e-06 + rs_loss)

if __name__ == "__main__":
    import jax
    _d = setup_inputs()
    print(jax.jit(kernel)(*tuple(_d.values())))

</pallas_src>

<mosaic_0001>
#map = affine_map<(d0, d1) -> (0)>
#map1 = affine_map<(d0, d1) -> (0, 0)>
module attributes {stable_mosaic.version = 14 : i64} {
  func.func @gather3(%arg0: i32, %arg1: i32, %arg2: memref<1024xi32, #tpu.memory_space<hbm>>, %arg3: memref<1024xi32, #tpu.memory_space<hbm>>, %arg4: memref<1024xi32, #tpu.memory_space<hbm>>, %arg5: memref<100000x128xf32, #tpu.memory_space<hbm>>, %arg6: memref<100000x128xf32, #tpu.memory_space<hbm>>, %arg7: memref<100000x128xf32, #tpu.memory_space<hbm>>, %arg8: memref<1024x128xf32, #tpu.memory_space<hbm>>, %arg9: memref<1024x128xf32, #tpu.memory_space<hbm>>, %arg10: memref<1024x128xf32, #tpu.memory_space<hbm>>, %arg11: memref<64xi32, #tpu.memory_space<vmem>>, %arg12: memref<64xi32, #tpu.memory_space<vmem>>, %arg13: memref<64xi32, #tpu.memory_space<vmem>>, %arg14: memref<64x128xf32, #tpu.memory_space<vmem>>, %arg15: memref<64x128xf32, #tpu.memory_space<vmem>>, %arg16: memref<64x128xf32, #tpu.memory_space<vmem>>, %arg17: memref<!tpu.dma_semaphore, #tpu.memory_space<semaphore_mem>>, %arg18: memref<!tpu.dma_semaphore, #tpu.memory_space<semaphore_mem>>, %arg19: memref<!tpu.dma_semaphore, #tpu.memory_space<semaphore_mem>>) attributes {dimension_semantics = [#tpu.dimension_semantics<core_parallel>, #tpu.dimension_semantics<subcore_parallel>], iteration_bounds = array<i64: 1, 16>, scalar_prefetch = 0 : i64, scratch_operands = 9 : i64, tpu.core_type = #tpu.core_type<sc_vector_subcore>, window_params = [{transform_indices = #map}, {transform_indices = #map}, {transform_indices = #map}, {transform_indices = #map1}, {transform_indices = #map1}, {transform_indices = #map1}, {transform_indices = #map1}, {transform_indices = #map1}, {transform_indices = #map1}]} {
    %mul3A = arith.constant 64 : i32
    %mul3A_0 = arith.muli %arg1, %mul3A : i32
    %dma_start3A = tpu.memref_slice %arg2[%mul3A_0] : memref<1024xi32, #tpu.memory_space<hbm>> -> memref<64xi32, #tpu.memory_space<hbm>>
    %dma_start3A_1 = tpu.memref_slice %arg2[%mul3A_0] : memref<1024xi32, #tpu.memory_space<hbm>> -> memref<64xi32, #tpu.memory_space<hbm>>
    tpu.enqueue_dma source(%dma_start3A_1 : memref<64xi32, #tpu.memory_space<hbm>>) target(%arg11 : memref<64xi32, #tpu.memory_space<vmem>>) target_semaphore(%arg17 : memref<!tpu.dma_semaphore, #tpu.memory_space<semaphore_mem>>)
    %dma_start3A_2 = tpu.memref_slice %arg3[%mul3A_0] : memref<1024xi32, #tpu.memory_space<hbm>> -> memref<64xi32, #tpu.memory_space<hbm>>
    %dma_start3A_3 = tpu.memref_slice %arg3[%mul3A_0] : memref<1024xi32, #tpu.memory_space<hbm>> -> memref<64xi32, #tpu.memory_space<hbm>>
    tpu.enqueue_dma source(%dma_start3A_3 : memref<64xi32, #tpu.memory_space<hbm>>) target(%arg12 : memref<64xi32, #tpu.memory_space<vmem>>) target_semaphore(%arg18 : memref<!tpu.dma_semaphore, #tpu.memory_space<semaphore_mem>>)
    %dma_start3A_4 = tpu.memref_slice %arg4[%mul3A_0] : memref<1024xi32, #tpu.memory_space<hbm>> -> memref<64xi32, #tpu.memory_space<hbm>>
    %dma_start3A_5 = tpu.memref_slice %arg4[%mul3A_0] : memref<1024xi32, #tpu.memory_space<hbm>> -> memref<64xi32, #tpu.memory_space<hbm>>
    tpu.enqueue_dma source(%dma_start3A_5 : memref<64xi32, #tpu.memory_space<hbm>>) target(%arg13 : memref<64xi32, #tpu.memory_space<vmem>>) target_semaphore(%arg19 : memref<!tpu.dma_semaphore, #tpu.memory_space<semaphore_mem>>)
    %dma_wait3A = tpu.memref_slice %arg2[%mul3A_0] : memref<1024xi32, #tpu.memory_space<hbm>> -> memref<64xi32, #tpu.memory_space<hbm>>
    %dma_wait3A_6 = tpu.memref_slice %arg2[%mul3A_0] : memref<1024xi32, #tpu.memory_space<hbm>> -> memref<64xi32, #tpu.memory_space<hbm>>
    tpu.wait_dma2 semaphore(%arg17 : memref<!tpu.dma_semaphore, #tpu.memory_space<semaphore_mem>>) src(%dma_wait3A_6 : memref<64xi32, #tpu.memory_space<hbm>>) dst(%arg11 : memref<64xi32, #tpu.memory_space<vmem>>)
    %dma_start3A_7 = arith.constant 0 : i32
    %dma_start3A_8 = arith.constant 0 : i32
    %dma_start3A_9 = tpu.memref_slice %arg5[%dma_start3A_7, %dma_start3A_8] : memref<100000x128xf32, #tpu.memory_space<hbm>> -> memref<100000x128xf32, #tpu.memory_space<hbm>>
    tpu.enqueue_indirect_dma source(%dma_start3A_9 : memref<100000x128xf32, #tpu.memory_space<hbm>>) target(%arg14 : memref<64x128xf32, #tpu.memory_space<vmem>>) offsets(%arg11 : memref<64xi32, #tpu.memory_space<vmem>>) semaphore(%arg17 : memref<!tpu.dma_semaphore, #tpu.memory_space<semaphore_mem>>)
    %dma_wait3A_10 = tpu.memref_slice %arg3[%mul3A_0] : memref<1024xi32, #tpu.memory_space<hbm>> -> memref<64xi32, #tpu.memory_space<hbm>>
    %dma_wait3A_11 = tpu.memref_slice %arg3[%mul3A_0] : memref<1024xi32, #tpu.memory_space<hbm>> -> memref<64xi32, #tpu.memory_space<hbm>>
    tpu.wait_dma2 semaphore(%arg18 : memref<!tpu.dma_semaphore, #tpu.memory_space<semaphore_mem>>) src(%dma_wait3A_11 : memref<64xi32, #tpu.memory_space<hbm>>) dst(%arg12 : memref<64xi32, #tpu.memory_space<vmem>>)
    %dma_start3A_12 = arith.constant 0 : i32
    %dma_start3A_13 = arith.constant 0 : i32
    %dma_start3A_14 = tpu.memref_slice %arg6[%dma_start3A_12, %dma_start3A_13] : memref<100000x128xf32, #tpu.memory_space<hbm>> -> memref<100000x128xf32, #tpu.memory_space<hbm>>
    tpu.enqueue_indirect_dma source(%dma_start3A_14 : memref<100000x128xf32, #tpu.memory_space<hbm>>) target(%arg15 : memref<64x128xf32, #tpu.memory_space<vmem>>) offsets(%arg12 : memref<64xi32, #tpu.memory_space<vmem>>) semaphore(%arg18 : memref<!tpu.dma_semaphore, #tpu.memory_space<semaphore_mem>>)
    %dma_wait3A_15 = tpu.memref_slice %arg4[%mul3A_0] : memref<1024xi32, #tpu.memory_space<hbm>> -> memref<64xi32, #tpu.memory_space<hbm>>
    %dma_wait3A_16 = tpu.memref_slice %arg4[%mul3A_0] : memref<1024xi32, #tpu.memory_space<hbm>> -> memref<64xi32, #tpu.memory_space<hbm>>
    tpu.wait_dma2 semaphore(%arg19 : memref<!tpu.dma_semaphore, #tpu.memory_space<semaphore_mem>>) src(%dma_wait3A_16 : memref<64xi32, #tpu.memory_space<hbm>>) dst(%arg13 : memref<64xi32, #tpu.memory_space<vmem>>)
    %dma_start3A_17 = arith.constant 0 : i32
    %dma_start3A_18 = arith.constant 0 : i32
    %dma_start3A_19 = tpu.memref_slice %arg7[%dma_start3A_17, %dma_start3A_18] : memref<100000x128xf32, #tpu.memory_space<hbm>> -> memref<100000x128xf32, #tpu.memory_space<hbm>>
    tpu.enqueue_indirect_dma source(%dma_start3A_19 : memref<100000x128xf32, #tpu.memory_space<hbm>>) target(%arg16 : memref<64x128xf32, #tpu.memory_space<vmem>>) offsets(%arg13 : memref<64xi32, #tpu.memory_space<vmem>>) semaphore(%arg19 : memref<!tpu.dma_semaphore, #tpu.memory_space<semaphore_mem>>)
    %dma_wait3A_20 = arith.constant 0 : i32
    %dma_wait3A_21 = arith.constant 0 : i32
    %dma_wait3A_22 = tpu.memref_slice %arg5[%dma_wait3A_20, %dma_wait3A_21] : memref<100000x128xf32, #tpu.memory_space<hbm>> -> memref<100000x128xf32, #tpu.memory_space<hbm>>
    tpu.wait_indirect_dma semaphore(%arg17 : memref<!tpu.dma_semaphore, #tpu.memory_space<semaphore_mem>>) src(%dma_wait3A_22 : memref<100000x128xf32, #tpu.memory_space<hbm>>) dst(%arg14 : memref<64x128xf32, #tpu.memory_space<vmem>>)
    %dma_start3A_23 = arith.constant 0 : i32
    %dma_start3A_24 = tpu.memref_slice %arg8[%mul3A_0, %dma_start3A_23] : memref<1024x128xf32, #tpu.memory_space<hbm>> -> memref<64x128xf32, #tpu.memory_space<hbm>>
    %dma_start3A_25 = arith.constant 0 : i32
    %dma_start3A_26 = tpu.memref_slice %arg8[%mul3A_0, %dma_start3A_25] : memref<1024x128xf32, #tpu.memory_space<hbm>> -> memref<64x128xf32, #tpu.memory_space<hbm>>
    tpu.enqueue_dma source(%arg14 : memref<64x128xf32, #tpu.memory_space<vmem>>) target(%dma_start3A_26 : memref<64x128xf32, #tpu.memory_space<hbm>>) target_semaphore(%arg17 : memref<!tpu.dma_semaphore, #tpu.memory_space<semaphore_mem>>)
    %dma_wait3A_27 = arith.constant 0 : i32
    %dma_wait3A_28 = arith.constant 0 : i32
    %dma_wait3A_29 = tpu.memref_slice %arg6[%dma_wait3A_27, %dma_wait3A_28] : memref<100000x128xf32, #tpu.memory_space<hbm>> -> memref<100000x128xf32, #tpu.memory_space<hbm>>
    tpu.wait_indirect_dma semaphore(%arg18 : memref<!tpu.dma_semaphore, #tpu.memory_space<semaphore_mem>>) src(%dma_wait3A_29 : memref<100000x128xf32, #tpu.memory_space<hbm>>) dst(%arg15 : memref<64x128xf32, #tpu.memory_space<vmem>>)
    %dma_start3A_30 = arith.constant 0 : i32
    %dma_start3A_31 = tpu.memref_slice %arg9[%mul3A_0, %dma_start3A_30] : memref<1024x128xf32, #tpu.memory_space<hbm>> -> memref<64x128xf32, #tpu.memory_space<hbm>>
    %dma_start3A_32 = arith.constant 0 : i32
    %dma_start3A_33 = tpu.memref_slice %arg9[%mul3A_0, %dma_start3A_32] : memref<1024x128xf32, #tpu.memory_space<hbm>> -> memref<64x128xf32, #tpu.memory_space<hbm>>
    tpu.enqueue_dma source(%arg15 : memref<64x128xf32, #tpu.memory_space<vmem>>) target(%dma_start3A_33 : memref<64x128xf32, #tpu.memory_space<hbm>>) target_semaphore(%arg18 : memref<!tpu.dma_semaphore, #tpu.memory_space<semaphore_mem>>)
    %dma_wait3A_34 = arith.constant 0 : i32
    %dma_wait3A_35 = arith.constant 0 : i32
    %dma_wait3A_36 = tpu.memref_slice %arg7[%dma_wait3A_34, %dma_wait3A_35] : memref<100000x128xf32, #tpu.memory_space<hbm>> -> memref<100000x128xf32, #tpu.memory_space<hbm>>
    tpu.wait_indirect_dma semaphore(%arg19 : memref<!tpu.dma_semaphore, #tpu.memory_space<semaphore_mem>>) src(%dma_wait3A_36 : memref<100000x128xf32, #tpu.memory_space<hbm>>) dst(%arg16 : memref<64x128xf32, #tpu.memory_space<vmem>>)
    %dma_start3A_37 = arith.constant 0 : i32
    %dma_start3A_38 = tpu.memref_slice %arg10[%mul3A_0, %dma_start3A_37] : memref<1024x128xf32, #tpu.memory_space<hbm>> -> memref<64x128xf32, #tpu.memory_space<hbm>>
    %dma_start3A_39 = arith.constant 0 : i32
    %dma_start3A_40 = tpu.memref_slice %arg10[%mul3A_0, %dma_start3A_39] : memref<1024x128xf32, #tpu.memory_space<hbm>> -> memref<64x128xf32, #tpu.memory_space<hbm>>
    tpu.enqueue_dma source(%arg16 : memref<64x128xf32, #tpu.memory_space<vmem>>) target(%dma_start3A_40 : memref<64x128xf32, #tpu.memory_space<hbm>>) target_semaphore(%arg19 : memref<!tpu.dma_semaphore, #tpu.memory_space<semaphore_mem>>)
    %dma_wait3A_41 = arith.constant 0 : i32
    %dma_wait3A_42 = tpu.memref_slice %arg8[%mul3A_0, %dma_wait3A_41] : memref<1024x128xf32, #tpu.memory_space<hbm>> -> memref<64x128xf32, #tpu.memory_space<hbm>>
    %dma_wait3A_43 = arith.constant 0 : i32
    %dma_wait3A_44 = tpu.memref_slice %arg8[%mul3A_0, %dma_wait3A_43] : memref<1024x128xf32, #tpu.memory_space<hbm>> -> memref<64x128xf32, #tpu.memory_space<hbm>>
    tpu.wait_dma2 semaphore(%arg17 : memref<!tpu.dma_semaphore, #tpu.memory_space<semaphore_mem>>) src(%arg14 : memref<64x128xf32, #tpu.memory_space<vmem>>) dst(%dma_wait3A_44 : memref<64x128xf32, #tpu.memory_space<hbm>>)
    %dma_wait3A_45 = arith.constant 0 : i32
    %dma_wait3A_46 = tpu.memref_slice %arg9[%mul3A_0, %dma_wait3A_45] : memref<1024x128xf32, #tpu.memory_space<hbm>> -> memref<64x128xf32, #tpu.memory_space<hbm>>
    %dma_wait3A_47 = arith.constant 0 : i32
    %dma_wait3A_48 = tpu.memref_slice %arg9[%mul3A_0, %dma_wait3A_47] : memref<1024x128xf32, #tpu.memory_space<hbm>> -> memref<64x128xf32, #tpu.memory_space<hbm>>
    tpu.wait_dma2 semaphore(%arg18 : memref<!tpu.dma_semaphore, #tpu.memory_space<semaphore_mem>>) src(%arg15 : memref<64x128xf32, #tpu.memory_space<vmem>>) dst(%dma_wait3A_48 : memref<64x128xf32, #tpu.memory_space<hbm>>)
    %dma_wait3A_49 = arith.constant 0 : i32
    %dma_wait3A_50 = tpu.memref_slice %arg10[%mul3A_0, %dma_wait3A_49] : memref<1024x128xf32, #tpu.memory_space<hbm>> -> memref<64x128xf32, #tpu.memory_space<hbm>>
    %dma_wait3A_51 = arith.constant 0 : i32
    %dma_wait3A_52 = tpu.memref_slice %arg10[%mul3A_0, %dma_wait3A_51] : memref<1024x128xf32, #tpu.memory_space<hbm>> -> memref<64x128xf32, #tpu.memory_space<hbm>>
    tpu.wait_dma2 semaphore(%arg19 : memref<!tpu.dma_semaphore, #tpu.memory_space<semaphore_mem>>) src(%arg16 : memref<64x128xf32, #tpu.memory_space<vmem>>) dst(%dma_wait3A_52 : memref<64x128xf32, #tpu.memory_space<hbm>>)
    return
  }
}

module attributes {stable_mosaic.version = 14 : i64} {
  func.func @_dense_body(%arg0: memref<1024x128xf32, #tpu.memory_space<vmem>>, %arg1: memref<1024x128xf32, #tpu.memory_space<vmem>>, %arg2: memref<1024x128xf32, #tpu.memory_space<vmem>>, %arg3: memref<128x128xf32, #tpu.memory_space<vmem>>, %arg4: memref<1x128xf32, #tpu.memory_space<vmem>>, %arg5: memref<1x128xf32, #tpu.memory_space<vmem>>, %arg6: memref<1x128xf32, #tpu.memory_space<vmem>>, %arg7: memref<1x128xf32, #tpu.memory_space<vmem>>, %arg8: memref<1x128xf32, #tpu.memory_space<vmem>>, %arg9: memref<1x128xf32, #tpu.memory_space<vmem>>, %arg10: memref<1024xi32, #tpu.memory_space<vmem>>, %arg11: memref<1024xf32, #tpu.memory_space<vmem>>, %arg12: memref<1024xf32, #tpu.memory_space<vmem>>, %arg13: memref<1x1xf32, #tpu.memory_space<smem>>) attributes {dimension_semantics = [], scalar_prefetch = 0 : i64, scratch_operands = 0 : i64, tpu.core_type = #tpu.core_type<tc>} {
    %get3A = arith.constant 0 : index
    %get3A_0 = arith.constant 0 : index
    %get3A_1 = vector.load %arg1[%get3A, %get3A_0] : memref<1024x128xf32, #tpu.memory_space<vmem>>, vector<1024x128xf32>
    %get3A_2 = arith.constant 0 : index
    %get3A_3 = arith.constant 0 : index
    %get3A_4 = vector.load %arg2[%get3A_2, %get3A_3] : memref<1024x128xf32, #tpu.memory_space<vmem>>, vector<1024x128xf32>
    %get3A_5 = arith.constant 0 : index
    %get3A_6 = arith.constant 0 : index
    %get3A_7 = vector.load %arg0[%get3A_5, %get3A_6] : memref<1024x128xf32, #tpu.memory_space<vmem>>, vector<1024x128xf32>
    %get3A_8 = arith.constant 0 : index
    %get3A_9 = arith.constant 0 : index
    %get3A_10 = vector.load %arg6[%get3A_8, %get3A_9] : memref<1x128xf32, #tpu.memory_space<vmem>>, vector<1x128xf32>
    %mul3A = vector.broadcast %get3A_10 : vector<1x128xf32> to vector<1024x128xf32>
    %mul3A_11 = arith.mulf %get3A_4, %mul3A : vector<1024x128xf32>
    %reduce_sum3A = arith.constant dense<0.000000e+00> : vector<1024xf32>
    %reduce_sum3A_12 = vector.multi_reduction <add>, %mul3A_11, %reduce_sum3A [1] : vector<1024x128xf32> to vector<1024xf32>
    %broadcast_in_dim3A = vector.shape_cast %reduce_sum3A_12 : vector<1024xf32> to vector<1024x1xf32>
    %get3A_13 = arith.constant 0 : index
    %get3A_14 = arith.constant 0 : index
    %get3A_15 = vector.load %arg8[%get3A_13, %get3A_14] : memref<1x128xf32, #tpu.memory_space<vmem>>, vector<1x128xf32>
    %mul3A_16 = vector.broadcast %get3A_15 : vector<1x128xf32> to vector<1024x128xf32>
    %mul3A_17 = arith.mulf %get3A_1, %mul3A_16 : vector<1024x128xf32>
    %reduce_sum3A_18 = arith.constant dense<0.000000e+00> : vector<1024xf32>
    %reduce_sum3A_19 = vector.multi_reduction <add>, %mul3A_17, %reduce_sum3A_18 [1] : vector<1024x128xf32> to vector<1024xf32>
    %broadcast_in_dim3A_20 = vector.shape_cast %reduce_sum3A_19 : vector<1024xf32> to vector<1024x1xf32>
    %mul3A_21 = vector.broadcast %broadcast_in_dim3A : vector<1024x1xf32> to vector<1024x128xf32>
    %mul3A_22 = arith.mulf %get3A_1, %mul3A_21 : vector<1024x128xf32>
    %mul3A_23 = vector.broadcast %broadcast_in_dim3A_20 : vector<1024x1xf32> to vector<1024x128xf32>
    %mul3A_24 = arith.mulf %get3A_4, %mul3A_23 : vector<1024x128xf32>
    %add3A = arith.addf %mul3A_22, %mul3A_24 : vector<1024x128xf32>
    %get3A_25 = arith.constant 0 : index
    %get3A_26 = arith.constant 0 : index
    %get3A_27 = vector.load %arg5[%get3A_25, %get3A_26] : memref<1x128xf32, #tpu.memory_space<vmem>>, vector<1x128xf32>
    %add3A_28 = vector.broadcast %get3A_27 : vector<1x128xf32> to vector<1024x128xf32>
    %add3A_29 = arith.addf %add3A, %add3A_28 : vector<1024x128xf32>
    %get3A_30 = arith.constant 0 : index
    %get3A_31 = arith.constant 0 : index
    %get3A_32 = vector.load %arg3[%get3A_30, %get3A_31] : memref<128x128xf32, #tpu.memory_space<vmem>>, vector<128x128xf32>
    %dot_general3A = arith.constant dense<0.000000e+00> : vector<1024x128xf32>
    %dot_general3A_33 = tpu.matmul %get3A_7, %get3A_32, %dot_general3A {dimension_numbers = #tpu.dot_dimension_numbers<[1], [1], [0], [0], [0, 0, 1, 0], [], []>, transpose_lhs_hint = false} : vector<1024x128xf32>, vector<128x128xf32>, vector<1024x128xf32> -> vector<1024x128xf32>
    %get3A_34 = arith.constant 0 : index
    %get3A_35 = arith.constant 0 : index
    %get3A_36 = vector.load %arg4[%get3A_34, %get3A_35] : memref<1x128xf32, #tpu.memory_space<vmem>>, vector<1x128xf32>
    %add3A_37 = vector.broadcast %get3A_36 : vector<1x128xf32> to vector<1024x128xf32>
    %add3A_38 = arith.addf %dot_general3A_33, %add3A_37 : vector<1024x128xf32>
    %max3A = arith.constant 0.000000e+00 : f32
    %max3A_39 = vector.broadcast %max3A : f32 to vector<1024x128xf32>
    %max3A_40 = arith.maximumf %add3A_38, %max3A_39 : vector<1024x128xf32>
    %mul3A_41 = arith.mulf %max3A_40, %add3A_29 : vector<1024x128xf32>
    %reduce_sum3A_42 = arith.constant dense<0.000000e+00> : vector<1024xf32>
    %reduce_sum3A_43 = vector.multi_reduction <add>, %mul3A_41, %reduce_sum3A_42 [1] : vector<1024x128xf32> to vector<1024xf32>
    %swap3A = arith.constant 0 : index
    %swap3A_44 = vector.load %arg11[%swap3A] : memref<1024xf32, #tpu.memory_space<vmem>>, vector<1024xf32>
    tpu.vector_store %arg11[%swap3A], %reduce_sum3A_43 {strides = array<i32>} : memref<1024xf32, #tpu.memory_space<vmem>>, vector<1024xf32>,
    %logistic3A = arith.negf %reduce_sum3A_43 : vector<1024xf32>
    %logistic3A_45 = math.exp %logistic3A : vector<1024xf32>
    %logistic3A_46 = arith.constant 1.000000e+00 : f32
    %logistic3A_47 = vector.broadcast %logistic3A_46 : f32 to vector<1024xf32>
    %logistic3A_48 = arith.addf %logistic3A_47, %logistic3A_45 : vector<1024xf32>
    %logistic3A_49 = arith.divf %logistic3A_47, %logistic3A_48 : vector<1024xf32>
    %swap3A_50 = arith.constant 0 : index
    %swap3A_51 = vector.load %arg12[%swap3A_50] : memref<1024xf32, #tpu.memory_space<vmem>>, vector<1024xf32>
    tpu.vector_store %arg12[%swap3A_50], %logistic3A_49 {strides = array<i32>} : memref<1024xf32, #tpu.memory_space<vmem>>, vector<1024xf32>,
    %get3A_52 = arith.constant 0 : index
    %get3A_53 = vector.load %arg10[%get3A_52] : memref<1024xi32, #tpu.memory_space<vmem>>, vector<1024xi32>
    %convert_element_type3A = arith.sitofp %get3A_53 : vector<1024xi32> to vector<1024xf32>
    %max3A_54 = arith.constant 0.000000e+00 : f32
    %max3A_55 = vector.broadcast %max3A_54 : f32 to vector<1024xf32>
    %max3A_56 = arith.maximumf %reduce_sum3A_43, %max3A_55 : vector<1024xf32>
    %mul3A_57 = arith.mulf %reduce_sum3A_43, %convert_element_type3A : vector<1024xf32>
    %sub3A = arith.subf %max3A_56, %mul3A_57 : vector<1024xf32>
    %abs3A = math.absf %reduce_sum3A_43 : vector<1024xf32>
    %neg3A = arith.constant 0.000000e+00 : f32
    %neg3A_58 = vector.broadcast %neg3A : f32 to vector<1024xf32>
    %neg3A_59 = arith.subf %neg3A_58, %abs3A : vector<1024xf32>
    %exp3A = math.exp %neg3A_59 : vector<1024xf32>
    %log1p3A = math.log1p %exp3A : vector<1024xf32>
    %add3A_60 = arith.addf %sub3A, %log1p3A : vector<1024xf32>
    %reduce_sum3A_61 = vector.shape_cast %add3A_60 : vector<1024xf32> to vector<1x1024xf32>
    %reduce_sum3A_62 = arith.constant dense<0.000000e+00> : vector<1xf32>
    %reduce_sum3A_63 = vector.multi_reduction <add>, %reduce_sum3A_61, %reduce_sum3A_62 [1] : vector<1x1024xf32> to vector<1xf32>
    %reduce_sum3A_64 = vector.shape_cast %reduce_sum3A_63 : vector<1xf32> to vector<1x1xf32>
    %reduce_sum3A_65 = vector.extract %reduce_sum3A_64[0, 0] : f32 from vector<1x1xf32>
    %div3A = arith.constant 1.024000e+03 : f32
    %div3A_66 = arith.divf %reduce_sum3A_65, %div3A : f32
    %mul3A_67 = arith.mulf %max3A_40, %max3A_40 : vector<1024x128xf32>
    %reduce_sum3A_68 = vector.shape_cast %mul3A_67 : vector<1024x128xf32> to vector<1x1024x128xf32>
    %reduce_sum3A_69 = arith.constant dense<0.000000e+00> : vector<1xf32>
    %reduce_sum3A_70 = vector.multi_reduction <add>, %reduce_sum3A_68, %reduce_sum3A_69 [1, 2] : vector<1x1024x128xf32> to vector<1xf32>
    %reduce_sum3A_71 = vector.shape_cast %reduce_sum3A_70 : vector<1xf32> to vector<1x1x1xf32>
    %reduce_sum3A_72 = vector.extract %reduce_sum3A_71[0, 0, 0] : f32 from vector<1x1x1xf32>
    %mul3A_73 = arith.mulf %add3A_29, %add3A_29 : vector<1024x128xf32>
    %reduce_sum3A_74 = vector.shape_cast %mul3A_73 : vector<1024x128xf32> to vector<1x1024x128xf32>
    %reduce_sum3A_75 = arith.constant dense<0.000000e+00> : vector<1xf32>
    %reduce_sum3A_76 = vector.multi_reduction <add>, %reduce_sum3A_74, %reduce_sum3A_75 [1, 2] : vector<1x1024x128xf32> to vector<1xf32>
    %reduce_sum3A_77 = vector.shape_cast %reduce_sum3A_76 : vector<1xf32> to vector<1x1x1xf32>
    %reduce_sum3A_78 = vector.extract %reduce_sum3A_77[0, 0, 0] : f32 from vector<1x1x1xf32>
    %add3A_79 = arith.addf %reduce_sum3A_72, %reduce_sum3A_78 : f32
    %get3A_80 = arith.constant 0 : index
    %get3A_81 = arith.constant 0 : index
    %get3A_82 = vector.load %arg3[%get3A_80, %get3A_81] : memref<128x128xf32, #tpu.memory_space<vmem>>, vector<128x128xf32>
    %integer_pow3A = arith.mulf %get3A_82, %get3A_82 : vector<128x128xf32>
    %reduce_sum3A_83 = vector.shape_cast %integer_pow3A : vector<128x128xf32> to vector<1x128x128xf32>
    %reduce_sum3A_84 = arith.constant dense<0.000000e+00> : vector<1xf32>
    %reduce_sum3A_85 = vector.multi_reduction <add>, %reduce_sum3A_83, %reduce_sum3A_84 [1, 2] : vector<1x128x128xf32> to vector<1xf32>
    %reduce_sum3A_86 = vector.shape_cast %reduce_sum3A_85 : vector<1xf32> to vector<1x1x1xf32>
    %reduce_sum3A_87 = vector.extract %reduce_sum3A_86[0, 0, 0] : f32 from vector<1x1x1xf32>
    %add3A_88 = arith.addf %add3A_79, %reduce_sum3A_87 : f32
    %get3A_89 = arith.constant 0 : index
    %get3A_90 = arith.constant 0 : index
    %get3A_91 = vector.load %arg6[%get3A_89, %get3A_90] : memref<1x128xf32, #tpu.memory_space<vmem>>, vector<1x128xf32>
    %integer_pow3A_92 = arith.mulf %get3A_91, %get3A_91 : vector<1x128xf32>
    %reduce_sum3A_93 = vector.shape_cast %integer_pow3A_92 : vector<1x128xf32> to vector<1x1x128xf32>
    %reduce_sum3A_94 = arith.constant dense<0.000000e+00> : vector<1xf32>
    %reduce_sum3A_95 = vector.multi_reduction <add>, %reduce_sum3A_93, %reduce_sum3A_94 [1, 2] : vector<1x1x128xf32> to vector<1xf32>
    %reduce_sum3A_96 = vector.shape_cast %reduce_sum3A_95 : vector<1xf32> to vector<1x1x1xf32>
    %reduce_sum3A_97 = vector.extract %reduce_sum3A_96[0, 0, 0] : f32 from vector<1x1x1xf32>
    %add3A_98 = arith.addf %add3A_88, %reduce_sum3A_97 : f32
    %get3A_99 = arith.constant 0 : index
    %get3A_100 = arith.constant 0 : index
    %get3A_101 = vector.load %arg7[%get3A_99, %get3A_100] : memref<1x128xf32, #tpu.memory_space<vmem>>, vector<1x128xf32>
    %integer_pow3A_102 = arith.mulf %get3A_101, %get3A_101 : vector<1x128xf32>
    %reduce_sum3A_103 = vector.shape_cast %integer_pow3A_102 : vector<1x128xf32> to vector<1x1x128xf32>
    %reduce_sum3A_104 = arith.constant dense<0.000000e+00> : vector<1xf32>
    %reduce_sum3A_105 = vector.multi_reduction <add>, %reduce_sum3A_103, %reduce_sum3A_104 [1, 2] : vector<1x1x128xf32> to vector<1xf32>
    %reduce_sum3A_106 = vector.shape_cast %reduce_sum3A_105 : vector<1xf32> to vector<1x1x1xf32>
    %reduce_sum3A_107 = vector.extract %reduce_sum3A_106[0, 0, 0] : f32 from vector<1x1x1xf32>
    %add3A_108 = arith.addf %add3A_98, %reduce_sum3A_107 : f32
    %get3A_109 = arith.constant 0 : index
    %get3A_110 = arith.constant 0 : index
    %get3A_111 = vector.load %arg8[%get3A_109, %get3A_110] : memref<1x128xf32, #tpu.memory_space<vmem>>, vector<1x128xf32>
    %integer_pow3A_112 = arith.mulf %get3A_111, %get3A_111 : vector<1x128xf32>
    %reduce_sum3A_113 = vector.shape_cast %integer_pow3A_112 : vector<1x128xf32> to vector<1x1x128xf32>
    %reduce_sum3A_114 = arith.constant dense<0.000000e+00> : vector<1xf32>
    %reduce_sum3A_115 = vector.multi_reduction <add>, %reduce_sum3A_113, %reduce_sum3A_114 [1, 2] : vector<1x1x128xf32> to vector<1xf32>
    %reduce_sum3A_116 = vector.shape_cast %reduce_sum3A_115 : vector<1xf32> to vector<1x1x1xf32>
    %reduce_sum3A_117 = vector.extract %reduce_sum3A_116[0, 0, 0] : f32 from vector<1x1x1xf32>
    %add3A_118 = arith.addf %add3A_108, %reduce_sum3A_117 : f32
    %get3A_119 = arith.constant 0 : index
    %get3A_120 = arith.constant 0 : index
    %get3A_121 = vector.load %arg9[%get3A_119, %get3A_120] : memref<1x128xf32, #tpu.memory_space<vmem>>, vector<1x128xf32>
    %integer_pow3A_122 = arith.mulf %get3A_121, %get3A_121 : vector<1x128xf32>
    %reduce_sum3A_123 = vector.shape_cast %integer_pow3A_122 : vector<1x128xf32> to vector<1x1x128xf32>
    %reduce_sum3A_124 = arith.constant dense<0.000000e+00> : vector<1xf32>
    %reduce_sum3A_125 = vector.multi_reduction <add>, %reduce_sum3A_123, %reduce_sum3A_124 [1, 2] : vector<1x1x128xf32> to vector<1xf32>
    %reduce_sum3A_126 = vector.shape_cast %reduce_sum3A_125 : vector<1xf32> to vector<1x1x1xf32>
    %reduce_sum3A_127 = vector.extract %reduce_sum3A_126[0, 0, 0] : f32 from vector<1x1x1xf32>
    %add3A_128 = arith.addf %add3A_118, %reduce_sum3A_127 : f32
    %mul3A_129 = arith.constant 5.000000e-01 : f32
    %mul3A_130 = arith.mulf %add3A_128, %mul3A_129 : f32
    %mul3A_131 = arith.constant 9.99999997E-7 : f32
    %mul3A_132 = arith.mulf %mul3A_130, %mul3A_131 : f32
    %add3A_133 = arith.addf %mul3A_132, %div3A_66 : f32
    %swap3A_134 = arith.constant 0 : index
    %swap3A_135 = arith.constant 0 : index
    %swap3A_136 = memref.load %arg13[%swap3A_134, %swap3A_135] : memref<1x1xf32, #tpu.memory_space<smem>>
    memref.store %add3A_133, %arg13[%swap3A_134, %swap3A_135] : memref<1x1xf32, #tpu.memory_space<smem>>
    return
  }
}

</mosaic_0001>

<sc_bundles>
// kernel: kernel.4.cloned.1.call-start
scs
__scs_entry_jumppad:
0x0: {  	(pc) =	sbr.rel $0x88, $3  }
0x1: {  	(tag) =	ssettag $0x0;
	lr =	simm.s32 $0x1  }
0x2: {  	[smem:$0x3F93] =	sst lr;
	_ =	strace $0xD0000000  }
0x3: {  	_ = 	snop  }
0x4: {  	_ = 	snop  }
0x5: {  	_ = 	snop  }
0x6: {  	_ = 	snop  }
0x7: {  	_ = 	snop  }
__scs_overlays_trampoline_lowered:
0x8: {  	[smem:$0x3FA2] =	sst s0  }
0x9: {  	[smem:$0x3FA3] =	sst s1  }
0xa: {  	[smem:$0x3FA4] =	sst s2  }
0xb: {  	[smem:$0x3FA5] =	sst s3  }
0xc: {  	[smem:$0x3FA6] =	sst s4  }
0xd: {  	[smem:$0x3FA7] =	sst s5  }
0xe: {  	[smem:$0x3FA8] =	sst s6  }
0xf: {  	[smem:$0x3FA9] =	sst s7  }
0x10: {  	[smem:$0x3FAA] =	sst s8  }
0x11: {  	[smem:$0x3FAB] =	sst s9;
	s0 =	simm.s32 @!p0 $0x0  }
0x12: {  	s1 =	sld [smem:$0x3F91];
	s0 =	simm.s32 @p0 $0x1  }
0x13: {  	[smem:$0x3FAC] =	sst s0;
	s0 =	simm.s32 @!p1 $0x0  }
0x14: {  	s2 =	sld [smem:$0x3F90];
	s0 =	simm.s32 @p1 $0x1  }
0x15: {  	[smem:$0x3FAD] =	sst s0;
	s0 =	simm.s32 @!p2 $0x0  }
0x16: {  	s3 =	sld [smem:$0x3FDB];
	s0 =	simm.s32 @p2 $0x1  }
0x17: {  	s4 =	simm.s32 $0x1BF5;
	[smem:$0x3FAF] =	sst s0  }
0x18: {  	s0 =	sld [smem:$0x3F92];
	_ =	swait.ge [sflag:s4], $0x0  }
0x19: {  	s7 =	sld [smem:$0x3F93]  }
0x1a: {  	s8 =	sadd.s32 $0xFFFFE003, lr  }
0x1b: {  	s9 =	sadd.s32 $0xFFFFFEF7, lr;
	s5 =	simm.s32 $0xFFFFFFFF;
	p2 =	slt.u32 s8, $0xFFFFF086  }
0x1c: {  	p1 =	slt.u32 s9, $0xF7A;
	s5 =	simm.s32 @!p2 $0x0  }
0x1d: {  	s5 =	simm.s32 @p1 $0x1;
	p0 =	seq.s32 s7, s2  }
0x1e: {  	s7 =	smul.u32 @!p0 $0xF7A, s2;
	p2 =	seq.s32 @!p0 s5, $0x0  }
0x1f: {  	s9 =	smul.u32 $0xF7A, s1;
	s8 =	simm.s32 @!p0 $0x1BF5;
	p2 =	por !p2, p0  }
0x20: {  	[sflag:s8] =	ssyncset.s32 @!p0 $0xFFFFF086;
	s6 =	sadd.s32 @!p0 s3, s7;
	s7 =	simm.s32 @!p0 $0x108  }
0x21: {  	s3 =	sadd.s32 s3, s9;
	s6 =	sadd.s32 @!p0 $0x88, s6;
	s7 =	simm.s32 @p2 $0x1082  }
0x22: {  	[simem:s7], [sflag:s8] =	dma.local @!p0 [hbm:s6], $0xF7A  }
0x23: {  	s9 =	sor.u32 $0xD0000000, s2;
	s6 =	simm.s32 $0x108;
	_ =	swait.ge @!p0 [sflag:s8], $0x0  }
0x24: {  	s3 =	sadd.s32 $0x88, s3;
	s6 =	simm.s32 @!p1 $0x1082;
	[sflag:s4] =	ssyncset.s32 $0xFFFFF086  }
0x25: {  	[simem:s6], [sflag:s4] =	dma.local [hbm:s3], $0xF7A  }
0x26: {  	[smem:$0x3F93] =	sst s1;
	(tag) =	ssettag s2;
	_ =	strace s9  }
0x27: {  	s1 =	sld [smem:$0x3FA3]  }
0x28: {  	s2 =	sld [smem:$0x3FA4]  }
0x29: {  	s4 =	sld [smem:$0x3FA6]  }
0x2a: {  	p0 =	seq.s32 s5, $0x0;
	s5 =	sld [smem:$0x3FA7]  }
0x2b: {  	s6 =	sld [smem:$0x3FA8]  }
0x2c: {  	s7 =	sld [smem:$0x3FA9]  }
0x2d: {  	s3 =	simm.s32 $0x108;
	s8 =	sld [smem:$0x3FAA]  }
0x2e: {  	s3 =	simm.s32 @!p0 $0x1082;
	s9 =	sld [smem:$0x3FAB]  }
0x2f: {  	lr =	sadd.s32 s0, s3;
	s0 =	sld [smem:$0x3FA2]  }
0x30: {  	s3 =	sld [smem:$0x3FA5]  }
0x31: {  	[smem:$0x3FAE] =	sst s10  }
0x32: {  	s10 =	sld [smem:$0x3FAC];
	_ =	sdelay $0x3  }
0x33: {  	p0 =	seq.s32 s10, $0x1;
	s10 =	sld [smem:$0x3FAE];
	_ =	sdelay $0x3  }
0x34: {  	[smem:$0x3FAE] =	sst s10  }
0x35: {  	s10 =	sld [smem:$0x3FAD];
	_ =	sdelay $0x3  }
0x36: {  	p1 =	seq.s32 s10, $0x1;
	s10 =	sld [smem:$0x3FAE];
	_ =	sdelay $0x3  }
0x37: {  	[smem:$0x3FAE] =	sst s10  }
0x38: {  	s10 =	sld [smem:$0x3FAF]  }
0x39: {  	_ = 	snop;
	(pc) =	sbr.ind lr, $3  }
0x3a: {  	_ = 	snop  }
0x3b: {  	_ = 	snop  }
0x3c: {  	p2 =	seq.s32 s10, $0x1;
	s10 =	sld [smem:$0x3FAE]  }
0x3d: {  	_ =	shalt  }
0x3e: {  	_ =	shalt  }
0x3f: {  	_ =	shalt  }
0x40: {  	_ =	shalt  }
0x41: {  	_ =	shalt  }
0x42: {  	_ =	shalt  }
0x43: {  	_ =	shalt  }
0x44: {  	_ =	shalt  }
0x45: {  	_ =	shalt  }
0x46: {  	_ =	shalt  }
0x47: {  	_ =	shalt  }
0x48: {  	_ =	shalt  }
0x49: {  	_ =	shalt  }
0x4a: {  	_ =	shalt  }
0x4b: {  	_ =	shalt  }
0x4c: {  	_ =	shalt  }
0x4d: {  	_ =	shalt  }
0x4e: {  	_ =	shalt  }
0x4f: {  	_ =	shalt  }
0x50: {  	_ =	shalt  }
0x51: {  	_ =	shalt  }
0x52: {  	_ =	shalt  }
0x53: {  	_ =	shalt  }
0x54: {  	_ =	shalt  }
0x55: {  	_ =	shalt  }
0x56: {  	_ =	shalt  }
0x57: {  	_ =	shalt  }
0x58: {  	_ =	shalt  }
0x59: {  	_ =	shalt  }
0x5a: {  	_ =	shalt  }
0x5b: {  	_ =	shalt  }
0x5c: {  	_ =	shalt  }
0x5d: {  	_ =	shalt  }
0x5e: {  	_ =	shalt  }
0x5f: {  	_ =	shalt  }
0x60: {  	_ =	shalt  }
0x61: {  	_ =	shalt  }
0x62: {  	_ =	shalt  }
0x63: {  	_ =	shalt  }
0x64: {  	_ =	shalt  }
0x65: {  	_ =	shalt  }
0x66: {  	_ =	shalt  }
0x67: {  	_ =	shalt  }
0x68: {  	_ =	shalt  }
0x69: {  	_ =	shalt  }
0x6a: {  	_ =	shalt  }
0x6b: {  	_ =	shalt  }
0x6c: {  	_ =	shalt  }
0x6d: {  	_ =	shalt  }
0x6e: {  	_ =	shalt  }
0x6f: {  	_ =	shalt  }
0x70: {  	_ =	shalt  }
0x71: {  	_ =	shalt  }
0x72: {  	_ =	shalt  }
0x73: {  	_ =	shalt  }
0x74: {  	_ =	shalt  }
0x75: {  	_ =	shalt  }
0x76: {  	_ =	shalt  }
0x77: {  	_ =	shalt  }
0x78: {  	_ =	shalt  }
0x79: {  	_ =	shalt  }
0x7a: {  	_ =	shalt  }
0x7b: {  	_ =	shalt  }
0x7c: {  	_ =	shalt  }
0x7d: {  	_ =	shalt  }
0x7e: {  	_ =	shalt  }
0x7f: {  	_ =	shalt  }
0x80: {  	_ =	shalt  }
0x81: {  	_ =	shalt  }
0x82: {  	_ =	shalt  }
0x83: {  	_ =	shalt  }
0x84: {  	_ =	shalt  }
0x85: {  	_ =	shalt  }
0x86: {  	_ =	shalt  }
0x87: {  	_ =	shalt  }
.Lfunc_end0:
.L_simem_size_0:
called_computation_lowered:
.L_overlay_start_0:
0x88: {  	s0 =	sld [smem:$0x3FD9]  }
0x89: {  	s1 =	sld [smem:$0x3FFE];
	_ =	sdelay $0x3  }
0x8a: {  	s0 =	sadd.s32 s1, s0  }
0x8b: {  	[smem:$0x3FBA] =	sst s0  }
0x8c: {  	_ = 	snop  }
0x8d: {  	s0 =	sld [smem:$0x3FC9]  }
0x8e: {  	s16 =	sld [smem:$0x3FC8]  }
0x8f: {  	s2 =	sld [smem:$0x3FC7]  }
0x90: {  	s3 =	sld [smem:$0x3FC5]  }
0x91: {  	s4 =	sld [smem:$0x3FC4]  }
0x92: {  	s5 =	sld [smem:$0x3FC3];
	(tm) =	ssettm $0x1  }
0x93: {  	s6 =	sld [smem:$0x3FFB];
	_ =	sdelay $0x3  }
0x94: {  	_ =	strace s6  }
0x95: {  	s6 =	sld [smem:$0x3FFC];
	_ =	sdelay $0x3  }
0x96: {  	_ =	strace s6  }
0x97: {  	s6 =	sld [smem:$0x3FFD];
	_ =	sdelay $0x3  }
0x98: {  	_ =	strace s6  }
0x99: {  	_ =	strace $0x8FFFFFFF  }
0x9a: {  	s17 =	sld [smem:$0x3FDB];
	_ =	sdelay $0x1  }
0x9b: {  	s7 =	simm.s32 $_scs_section_size  }
0x9c: {  	s8 =	simm.s32 $_size__tile_overlayer_lowered;
	s9 =	simm.s32 $_tile_overlayer_lowered  }
0x9d: {  	s20 =	simm.s32 $0x1BFF;
	s19 =	sshll.u32 s9, $0x1;
	s6 =	sadd.s32 s7, s17  }
0x9e: {  	s10 =	simm.s32 $0x0;
	s18 =	sshll.u32 s8, $0x1;
	s8 =	sadd.s32 s19, s6  }
0x9f: {  	[timem:s10], [sflag:s20] =	dma.local [hbm:s8], s18  }
0xa0: {  	_ =	swait.ge [sflag:s20], s18  }
0xa1: {  	s7 =	ssub.s32 $0x0, s18;
	[sflag:s20] =	ssyncset.done $0x0  }
0xa2: {  	[sflag:s20] =	ssyncadd.s32 s7;
	_ =	sdelay $0x1  }
0xa3: {  	s21 =	simm.s32 $0x1B8B  }
0xa4: {  	_ =	swait.ge [sflag:s21], $0x1  }
0xa5: {  	[sflag:s21] =	ssyncset.done $0x0  }
0xa6: {  	s23 =	simm.s32 $0x1B8E;
	s22 =	sld [smem:$0x3FFE];
	[sflag:s21] =	ssyncadd.s32 $0xFFFFFFFF  }
0xa7: {  	s24 =	simm.s32 $execute0_lowered;
	[smem:$0x3FD2] =	sst s23  }
0xa8: {  	s8 =	sshll.u32 s24, $0x1;
	_ =	strace $0x80000046;
	[dreg:$0x1] =	wrdreg $0xFFFFFFFF  }
0xa9: {  	s25 =	simm.s32 $_size_execute0_lowered;
	s6 =	sadd.s32 s6, s8;
	[dreg:$0x0] =	wrdreg $0x0  }
0xaa: {  	s8 =	sshll.u32 s25, $0x1;
	[dreg:$0x2] =	wrdreg s6  }
0xab: {  	[dreg:$0x3] =	wrdreg s8  }
0xac: {  	[dreg:$0x4] =	wrdreg $0xC0  }
0xad: {  	_ =	task [dreg:s10], $0x5FFFF  }
0xae: {  	[dreg:$0x1] =	wrdreg $0xFFFFFFFF  }
0xaf: {  	[dreg:$0x0] =	wrdreg $0x60  }
0xb0: {  	[dreg:$0x2] =	wrdreg s0  }
0xb1: {  	[dreg:$0x3] =	wrdreg s16  }
0xb2: {  	[dreg:$0x4] =	wrdreg s2  }
0xb3: {  	[dreg:$0x5] =	wrdreg s5  }
0xb4: {  	[dreg:$0x6] =	wrdreg s3  }
0xb5: {  	[dreg:$0x7] =	wrdreg s4  }
0xb6: {  	[dreg:$0x8] =	wrdreg s22  }
0xb7: {  	[dreg:$0x9] =	wrdreg $0x9  }
0xb8: {  	_ =	task.clear_ibuf [dreg:s10], $0xAFFFF;
	_ =	strace $0x90000046  }
0xb9: {  	s26 =	simm.s32 $0x9;
	_ =	strace $0x80000048  }
0xba: {  	_ =	swait.ge [sflag:s26], $0x1  }
0xbb: {  	[sflag:s26] =	ssyncadd.s32 $0xFFFFFFFF  }
0xbc: {  	_ =	strace $0x90000048  }
0xbd: {  	_ =	sfence  }
0xbe: {  	s28 =	sld [smem:$0x0];
	_ =	sdelay $0x1  }
0xbf: {  	s29 =	srdreg.scid  }
0xc0: {  	s30 =	sshll.u32 s29, $0xD;
	s31 =	sshrl.u32 s29, $0x2  }
0xc1: {  	s1 =	sand.u32 $0x1, s29;
	s2 =	sand.u32 $0x4000, s30;
	s0 =	sadd.s32 s31, s28  }
0xc2: {  	s1 =	sor.u32 s2, s1;
	s0 =	sshll.u32 s0, $0x11  }
0xc3: {  	s0 =	sor.u32 s0, s1  }
0xc4: {  	s0 =	sadd.s32 $0x8F2B, s0  }
0xc5: {  	[sflag:s0] =	ssyncadd.remote.s32 $0x1  }
0xc6: {  	_ =	sfence.sel $0xFFFF  }
0xc7: {  	[dreg:$0x0] =	wrdreg $0xFFFFFFFF;
	(pc) =	sbr.abs _section_cstart, $3  }
0xc8: {  	[dreg:$0x1] =	wrdreg $0xFFFFFFFF  }
0xc9: {  	_ =	task.clear_ibuf [dreg:s10], $0x2FFFF;
	_ =	strace $0x9FFFFFFF  }
0xca: {  	(tm) =	ssettm $0x7FFFFFFF  }
0xcb: {  	_ =	shalt  }
tec
execute0_lowered:
.L_overlay_start_1:
0x0: {  	(tag) =	ssettag $0x1  }
0x1: {  	s1 =	rddreg [dreg:$0x0]  }
0x2: {  	s2 =	rddreg [dreg:$0x1]  }
0x3: {  	s3 =	rddreg [dreg:$0x2]  }
0x4: {  	s4 =	rddreg [dreg:$0x3]  }
0x5: {  	s5 =	rddreg [dreg:$0x4]  }
0x6: {  	s6 =	rddreg [dreg:$0x5]  }
0x7: {  	s7 =	rddreg [dreg:$0x6];
	s8 =	simm.s32 $0x0;
	s9 =	stileid.u32  }
0x8: {  	[smem:$0x7FF] =	sst s8;
	s10 =	sshll.u32 s9, $0x3  }
0x9: {  	s0 =	rddreg [dreg:$0x7];
	_ =	strace $0x80000047;
	s1 =	sadd.s32 s1, s10  }
0xa: {  	[tilespmem:s8], [sflag:$0x1] =	stream.linear.gather [hbm4b:s1+s8], $0x40, $0x38;
	[tilespmem:$0x6180] =	vst v63  }
0xb: {  	s20 =	simm.s32 $0x80;
	s19 =	sadd.s32 s2, s10  }
0xc: {  	[tilespmem:s20], [sflag:$0x2] =	stream.linear.gather [hbm4b:s19+s8], $0x40, $0x38;
	[tilespmem:$0x6180] =	vst v63  }
0xd: {  	s22 =	simm.s32 $0x100;
	s23 =	simm.s32 $0x1;
	s21 =	sadd.s32 s3, s10  }
0xe: {  	[tilespmem:s22], [sflag:$0x3] =	stream.linear.gather [hbm4b:s21+s8], $0x40, $0x38;
	[tilespmem:$0x6180] =	vst v63  }
0xf: {  	_ =	swait.ge [sflag:s23], $0x40  }
0x10: {  	s24 =	simm.s32 $0x40;
	[sflag:s23] =	ssyncset.done $0x0  }
0x11: {  	s11 =	simm.s32 $0x180;
	s25 =	simm.s32 $0x2;
	[sflag:s23] =	ssyncadd.s32 $0xFFFFFFC0  }
0x12: {  	[tilespmem:s11], [sflag:$0x1] =	stream.indirect.gather [hbm4b:s4+s24], $0x80, s8, s24, $0xb8;
	[tilespmem:$0x6180] =	vst v63  }
0x13: {  	_ =	swait.ge [sflag:s25], $0x40  }
0x14: {  	[sflag:s25] =	ssyncset.done $0x0  }
0x15: {  	s12 =	simm.s32 $0x2180;
	s26 =	simm.s32 $0x3;
	[sflag:s25] =	ssyncadd.s32 $0xFFFFFFC0  }
0x16: {  	[tilespmem:s12], [sflag:$0x2] =	stream.indirect.gather [hbm4b:s5+s24], $0x80, s20, s24, $0xb8;
	[tilespmem:$0x6180] =	vst v63  }
0x17: {  	_ =	swait.ge [sflag:s26], $0x40  }
0x18: {  	[sflag:s26] =	ssyncset.done $0x0  }
0x19: {  	s28 =	simm.s32 $0x4180;
	[sflag:s26] =	ssyncadd.s32 $0xFFFFFFC0  }
0x1a: {  	[tilespmem:s28], [sflag:$0x3] =	stream.indirect.gather [hbm4b:s6+s24], $0x80, s22, s24, $0xb8;
	[tilespmem:$0x6180] =	vst v63  }
0x1b: {  	s29 =	sshll.u32 s9, $0xA;
	_ =	swait.ge [sflag:s23], $0x2000  }
0x1c: {  	s3 =	sadd.s32 s29, s7;
	[sflag:s23] =	ssyncset.done $0x0  }
0x1d: {  	s30 =	sadd.s32 $0x2000, s3;
	[sflag:s23] =	ssyncadd.s32 $0xFFFFE000  }
0x1e: {  	[hbm4b:s30+s8] =	stream.linear.scatter [tilespmem:s11], [sflag:$0x1], $0x2000, $0x38;
	[tilespmem:$0x6180] =	vst v63  }
0x1f: {  	_ =	swait.ge [sflag:s25], $0x2000  }
0x20: {  	[sflag:s25] =	ssyncset.done $0x0  }
0x21: {  	s31 =	sadd.s32 $0x6000, s3;
	[sflag:s25] =	ssyncadd.s32 $0xFFFFE000  }
0x22: {  	[hbm4b:s31+s8] =	stream.linear.scatter [tilespmem:s12], [sflag:$0x2], $0x2000, $0x38;
	[tilespmem:$0x6180] =	vst v63  }
0x23: {  	_ =	swait.ge [sflag:s26], $0x2000  }
0x24: {  	[sflag:s26] =	ssyncset.done $0x0  }
0x25: {  	s3 =	sadd.s32 $0xA000, s3;
	[sflag:s26] =	ssyncadd.s32 $0xFFFFE000  }
0x26: {  	[hbm4b:s3+s8] =	stream.linear.scatter [tilespmem:s28], [sflag:$0x3], $0x2000, $0x38;
	[tilespmem:$0x6180] =	vst v63  }
0x27: {  	_ =	swait.ge [sflag:s23], $0x2000  }
0x28: {  	[sflag:s23] =	ssyncset.done $0x0  }
0x29: {  	[sflag:s23] =	ssyncadd.s32 $0xFFFFE000  }
0x2a: {  	_ =	swait.ge [sflag:s25], $0x2000  }
0x2b: {  	[sflag:s25] =	ssyncset.done $0x0  }
0x2c: {  	[sflag:s25] =	ssyncadd.s32 $0xFFFFE000  }
0x2d: {  	_ =	swait.ge [sflag:s26], $0x2000  }
0x2e: {  	[sflag:s26] =	ssyncset.done $0x0  }
0x2f: {  	[sflag:s26] =	ssyncadd.s32 $0xFFFFE000  }
0x30: {  	_ =	sfence.sel $0x180000  }
0x31: {  	[bflag:$0x0] =	sbarrier.arrive $0xFFFF  }
0x32: {  	p0 =	sne.s32 s9, $0x0;
	_ =	strace $0x90000047  }
0x33: {  	s0 =	sadd.s32 @!p0 $0x100000, s0;
	[bflag:$0x2] =	sbarrier.arrive $0xFFFF  }
0x34: {  	[sflag:s0] =	ssyncadd.tile.s32 @!p0 $0x1;
	_ =	shalt  }
.Lfunc_end2:
_tile_overlayer_lowered:
.L_overlay_start_2:
0x35: {  	(tag) =	ssettag $0x2  }
0x36: {  	s0 =	rddreg [dreg:$0x0];
	s2 =	stileid.u32  }
0x37: {  	s1 =	rddreg [dreg:$0x1];
	p0 =	sne.s32 s2, $0x0  }
0x38: {  	s3 =	rddreg [dreg:$0x2];
	[bflag:$0x3] =	sbarrier.arrive $0xFFFF;
	s2 =	simm.s32 @!p0 $0x1C04  }
0x39: {  	[timem:s3], [sflag:s2] =	dma.local @!p0 [hbm:s0], s1  }
0x3a: {  	s0 =	simm.s32 @!p0 $0x4  }
0x3b: {  	_ =	swait.ge @!p0 [sflag:s0], s1  }
0x3c: {  	s1 =	ssub.s32 @!p0 $0x0, s1;
	[sflag:s0] =	ssyncset.done @!p0 $0x0  }
0x3d: {  	[sflag:s0] =	ssyncadd.s32 @!p0 s1  }
0x3e: {  	[bflag:$0x3] =	sbarrier.arrive $0xFFFF  }
0x3f: {  	_ =	shalt  }

</sc_bundles>
